<compile_context>
chip_gen: v7x
topology: tpu7x:2x2x1
jax: 0.10.2.dev20260603
libtpu: 0.0.44.dev20260713+nightly
codegen_flags: <defaults>
</compile_context>

<pallas_src>
import functools

import jax
import jax.numpy as jnp
from jax import lax
from jax.experimental import pallas as pl
from jax.experimental.pallas import tpu as pltpu
from jax.experimental.pallas import tpu_sc as plsc

B = 16384
F = 64
NC = 2
NS = 16
NW = NC * NS
BPW = B // NW
L = 16


def _body(uid, iid, text, utab, itab, ubias, ibias, out,
          uidx_v, iidx_v, urows, irows, trows, ub_v, ib_v, out_v, sem):
    wid = lax.axis_index("s") * NC + lax.axis_index("c")
    base = wid * BPW

    pltpu.sync_copy(uid.at[pl.ds(base, BPW)], uidx_v)
    pltpu.sync_copy(iid.at[pl.ds(base, BPW)], iidx_v)

    c1 = pltpu.async_copy(utab.at[uidx_v], urows, sem)
    c2 = pltpu.async_copy(itab.at[iidx_v], irows, sem)
    c3 = pltpu.async_copy(ubias.at[uidx_v], ub_v, sem)
    c4 = pltpu.async_copy(ibias.at[iidx_v], ib_v, sem)
    c5 = pltpu.async_copy(text.at[pl.ds(base, BPW)], trows, sem)
    c1.wait(); c2.wait(); c3.wait(); c4.wait(); c5.wait()

    def group(g, _):
        rb = g * L
        ridx = rb + lax.iota(jnp.int32, L)
        acc = ub_v[pl.ds(rb, L)] + ib_v[pl.ds(rb, L)]

        def col(f, acc):
            cidx = jnp.full((L,), f, jnp.int32)
            u = plsc.load_gather(urows, [ridx, cidx])
            i = plsc.load_gather(irows, [ridx, cidx])
            t = plsc.load_gather(trows, [ridx, cidx])
            return acc + u * (i + t)

        acc = lax.fori_loop(0, F, col, acc, unroll=8)
        out_v[pl.ds(rb, L)] = acc
        return 0

    lax.fori_loop(0, BPW // L, group, 0)
    pltpu.sync_copy(out_v, out.at[pl.ds(base, BPW)])


def kernel(user_id, item_id, text_embeddings, user_table, item_table,
           user_bias, item_bias):
    mesh = plsc.VectorSubcoreMesh(core_axis_name="c", subcore_axis_name="s")
    k = functools.partial(
        pl.kernel,
        out_type=jax.ShapeDtypeStruct((B,), jnp.float32),
        mesh=mesh,
        compiler_params=pltpu.CompilerParams(
            needs_layout_passes=False, use_tc_tiling_on_sc=False),
        scratch_types=[
            pltpu.VMEM((BPW,), jnp.int32),
            pltpu.VMEM((BPW,), jnp.int32),
            pltpu.VMEM((BPW, F), jnp.float32),
            pltpu.VMEM((BPW, F), jnp.float32),
            pltpu.VMEM((BPW, F), jnp.float32),
            pltpu.VMEM((BPW,), jnp.float32),
            pltpu.VMEM((BPW,), jnp.float32),
            pltpu.VMEM((BPW,), jnp.float32),
            pltpu.SemaphoreType.DMA,
        ],
    )(_body)
    out = k(user_id.reshape(B), item_id.reshape(B), text_embeddings,
            user_table, item_table,
            user_bias.reshape(user_bias.shape[0]),
            item_bias.reshape(item_bias.shape[0]))
    return out.reshape(B, 1)

# --- scband reference (transcript-rebuilt; emitter-appended) ---
"""Pipeline reference for scband-funk-svd-48404281425924 (READ-ONLY COPY).

The authoritative reference and input builder live on the scoring server;
editing this copy changes nothing except your own understanding.
"""

import jax, jax.numpy as jnp
import numpy as np

NUM_USERS = 1000000
NUM_ITEMS = 100000
F = 64
B = 16384


def setup_inputs(seed: int = 0) -> dict:
    key = jax.random.key(seed)
    k1, k2, k3, k4, k5, k6, k7 = jax.random.split(key, 7)
    user_id = jax.random.randint(k1, (B, 1), 0, NUM_USERS, dtype=jnp.int32)
    item_id = jax.random.randint(k2, (B, 1), 0, NUM_ITEMS, dtype=jnp.int32)
    text_embeddings = jax.random.normal(k3, (B, F), dtype=jnp.float32)
    # Learned parameters (RandomNormal initializer, default stddev=0.05)
    user_table = jax.random.normal(k4, (NUM_USERS, F), dtype=jnp.float32) * 0.05
    item_table = jax.random.normal(k5, (NUM_ITEMS, F), dtype=jnp.float32) * 0.05
    user_bias = jax.random.normal(k6, (NUM_USERS, 1), dtype=jnp.float32) * 0.05
    item_bias = jax.random.normal(k7, (NUM_ITEMS, 1), dtype=jnp.float32) * 0.05
    return {
        "user_id": user_id,
        "item_id": item_id,
        "text_embeddings": text_embeddings,
        "user_table": user_table,
        "item_table": item_table,
        "user_bias": user_bias,
        "item_bias": item_bias,
    }


def reference(user_id, item_id, text_embeddings, user_table, item_table, user_bias, item_bias):
    # Embedding lookups (SparseCore gathers)
    vec_user = jnp.take(user_table, user_id, axis=0)  # [B, 1, F]
    vec_item = jnp.take(item_table, item_id, axis=0)  # [B, 1, F]
    # Dot(axes=2)([vec_user, vec_item]) -> [B, 1, 1]
    dot_ui = jnp.sum(vec_user * vec_item, axis=-1, keepdims=True)
    # Dot(axes=2)([vec_user, expand_dims(text_embeddings, 1)]) -> [B, 1, 1]
    text = jnp.expand_dims(text_embeddings, axis=1)  # [B, 1, F]
    dot_ut = jnp.sum(vec_user * text, axis=-1, keepdims=True)
    # Bias embeddings -> [B, 1, 1]
    b_u = jnp.take(user_bias, user_id, axis=0)
    b_i = jnp.take(item_bias, item_id, axis=0)
    out = dot_ui + dot_ut + b_u + b_i  # [B, 1, 1]
    # Flatten -> [B, 1]
    return out.reshape(out.shape[0], -1)

if __name__ == "__main__":
    import jax
    _d = setup_inputs()
    print(jax.jit(kernel)(*tuple(_d.values())))

</pallas_src>

<mosaic_0001>
#map = affine_map<(d0, d1) -> (0)>
#map1 = affine_map<(d0, d1) -> (0, 0)>
module attributes {stable_mosaic.version = 14 : i64} {
  func.func @_body(%arg0: i32, %arg1: i32, %arg2: memref<16384xi32, #tpu.memory_space<hbm>>, %arg3: memref<16384xi32, #tpu.memory_space<hbm>>, %arg4: memref<16384x64xf32, #tpu.memory_space<hbm>>, %arg5: memref<1000000x64xf32, #tpu.memory_space<hbm>>, %arg6: memref<100000x64xf32, #tpu.memory_space<hbm>>, %arg7: memref<1000000xf32, #tpu.memory_space<hbm>>, %arg8: memref<100000xf32, #tpu.memory_space<hbm>>, %arg9: memref<16384xf32, #tpu.memory_space<hbm>>, %arg10: memref<512xi32, #tpu.memory_space<vmem>>, %arg11: memref<512xi32, #tpu.memory_space<vmem>>, %arg12: memref<512x64xf32, #tpu.memory_space<vmem>>, %arg13: memref<512x64xf32, #tpu.memory_space<vmem>>, %arg14: memref<512x64xf32, #tpu.memory_space<vmem>>, %arg15: memref<512xf32, #tpu.memory_space<vmem>>, %arg16: memref<512xf32, #tpu.memory_space<vmem>>, %arg17: memref<512xf32, #tpu.memory_space<vmem>>, %arg18: memref<!tpu.dma_semaphore, #tpu.memory_space<semaphore_mem>>) attributes {dimension_semantics = [#tpu.dimension_semantics<core_parallel>, #tpu.dimension_semantics<subcore_parallel>], iteration_bounds = array<i64: 2, 16>, scalar_prefetch = 0 : i64, scratch_operands = 9 : i64, tpu.core_type = #tpu.core_type<sc_vector_subcore>, window_params = [{transform_indices = #map}, {transform_indices = #map}, {transform_indices = #map1}, {transform_indices = #map1}, {transform_indices = #map1}, {transform_indices = #map}, {transform_indices = #map}, {transform_indices = #map}]} {
    %mul3A = arith.constant 2 : i32
    %mul3A_0 = arith.muli %arg1, %mul3A : i32
    %add3A = arith.addi %mul3A_0, %arg0 : i32
    %mul3A_1 = arith.constant 512 : i32
    %mul3A_2 = arith.muli %add3A, %mul3A_1 : i32
    "tpu.region"() ({
      %run_scoped3A = tpu.sem_alloc : memref<!tpu.dma_semaphore, #tpu.memory_space<semaphore_mem>>
      %dma_start3A_35 = tpu.memref_slice %arg2[%mul3A_2] : memref<16384xi32, #tpu.memory_space<hbm>> -> memref<512xi32, #tpu.memory_space<hbm>>
      %dma_start3A_36 = tpu.memref_slice %arg2[%mul3A_2] : memref<16384xi32, #tpu.memory_space<hbm>> -> memref<512xi32, #tpu.memory_space<hbm>>
      tpu.enqueue_dma source(%dma_start3A_36 : memref<512xi32, #tpu.memory_space<hbm>>) target(%arg10 : memref<512xi32, #tpu.memory_space<vmem>>) target_semaphore(%run_scoped3A : memref<!tpu.dma_semaphore, #tpu.memory_space<semaphore_mem>>)
      %dma_wait3A_37 = tpu.memref_slice %arg2[%mul3A_2] : memref<16384xi32, #tpu.memory_space<hbm>> -> memref<512xi32, #tpu.memory_space<hbm>>
      %dma_wait3A_38 = tpu.memref_slice %arg2[%mul3A_2] : memref<16384xi32, #tpu.memory_space<hbm>> -> memref<512xi32, #tpu.memory_space<hbm>>
      tpu.wait_dma2 semaphore(%run_scoped3A : memref<!tpu.dma_semaphore, #tpu.memory_space<semaphore_mem>>) src(%dma_wait3A_38 : memref<512xi32, #tpu.memory_space<hbm>>) dst(%arg10 : memref<512xi32, #tpu.memory_space<vmem>>)
      tpu.yield
    }) : () -> ()
    "tpu.region"() ({
      %run_scoped3A = tpu.sem_alloc : memref<!tpu.dma_semaphore, #tpu.memory_space<semaphore_mem>>
      %dma_start3A_35 = tpu.memref_slice %arg3[%mul3A_2] : memref<16384xi32, #tpu.memory_space<hbm>> -> memref<512xi32, #tpu.memory_space<hbm>>
      %dma_start3A_36 = tpu.memref_slice %arg3[%mul3A_2] : memref<16384xi32, #tpu.memory_space<hbm>> -> memref<512xi32, #tpu.memory_space<hbm>>
      tpu.enqueue_dma source(%dma_start3A_36 : memref<512xi32, #tpu.memory_space<hbm>>) target(%arg11 : memref<512xi32, #tpu.memory_space<vmem>>) target_semaphore(%run_scoped3A : memref<!tpu.dma_semaphore, #tpu.memory_space<semaphore_mem>>)
      %dma_wait3A_37 = tpu.memref_slice %arg3[%mul3A_2] : memref<16384xi32, #tpu.memory_space<hbm>> -> memref<512xi32, #tpu.memory_space<hbm>>
      %dma_wait3A_38 = tpu.memref_slice %arg3[%mul3A_2] : memref<16384xi32, #tpu.memory_space<hbm>> -> memref<512xi32, #tpu.memory_space<hbm>>
      tpu.wait_dma2 semaphore(%run_scoped3A : memref<!tpu.dma_semaphore, #tpu.memory_space<semaphore_mem>>) src(%dma_wait3A_38 : memref<512xi32, #tpu.memory_space<hbm>>) dst(%arg11 : memref<512xi32, #tpu.memory_space<vmem>>)
      tpu.yield
    }) : () -> ()
    %dma_start3A = arith.constant 0 : i32
    %dma_start3A_3 = arith.constant 0 : i32
    %dma_start3A_4 = tpu.memref_slice %arg5[%dma_start3A, %dma_start3A_3] : memref<1000000x64xf32, #tpu.memory_space<hbm>> -> memref<1000000x64xf32, #tpu.memory_space<hbm>>
    tpu.enqueue_indirect_dma source(%dma_start3A_4 : memref<1000000x64xf32, #tpu.memory_space<hbm>>) target(%arg12 : memref<512x64xf32, #tpu.memory_space<vmem>>) offsets(%arg10 : memref<512xi32, #tpu.memory_space<vmem>>) semaphore(%arg18 : memref<!tpu.dma_semaphore, #tpu.memory_space<semaphore_mem>>)
    %dma_start3A_5 = arith.constant 0 : i32
    %dma_start3A_6 = arith.constant 0 : i32
    %dma_start3A_7 = tpu.memref_slice %arg6[%dma_start3A_5, %dma_start3A_6] : memref<100000x64xf32, #tpu.memory_space<hbm>> -> memref<100000x64xf32, #tpu.memory_space<hbm>>
    tpu.enqueue_indirect_dma source(%dma_start3A_7 : memref<100000x64xf32, #tpu.memory_space<hbm>>) target(%arg13 : memref<512x64xf32, #tpu.memory_space<vmem>>) offsets(%arg11 : memref<512xi32, #tpu.memory_space<vmem>>) semaphore(%arg18 : memref<!tpu.dma_semaphore, #tpu.memory_space<semaphore_mem>>)
    %dma_start3A_8 = arith.constant 0 : i32
    %dma_start3A_9 = tpu.memref_slice %arg7[%dma_start3A_8] : memref<1000000xf32, #tpu.memory_space<hbm>> -> memref<1000000xf32, #tpu.memory_space<hbm>>
    tpu.enqueue_indirect_dma source(%dma_start3A_9 : memref<1000000xf32, #tpu.memory_space<hbm>>) target(%arg15 : memref<512xf32, #tpu.memory_space<vmem>>) offsets(%arg10 : memref<512xi32, #tpu.memory_space<vmem>>) semaphore(%arg18 : memref<!tpu.dma_semaphore, #tpu.memory_space<semaphore_mem>>)
    %dma_start3A_10 = arith.constant 0 : i32
    %dma_start3A_11 = tpu.memref_slice %arg8[%dma_start3A_10] : memref<100000xf32, #tpu.memory_space<hbm>> -> memref<100000xf32, #tpu.memory_space<hbm>>
    tpu.enqueue_indirect_dma source(%dma_start3A_11 : memref<100000xf32, #tpu.memory_space<hbm>>) target(%arg16 : memref<512xf32, #tpu.memory_space<vmem>>) offsets(%arg11 : memref<512xi32, #tpu.memory_space<vmem>>) semaphore(%arg18 : memref<!tpu.dma_semaphore, #tpu.memory_space<semaphore_mem>>)
    %dma_start3A_12 = arith.constant 0 : i32
    %dma_start3A_13 = tpu.memref_slice %arg4[%mul3A_2, %dma_start3A_12] : memref<16384x64xf32, #tpu.memory_space<hbm>> -> memref<512x64xf32, #tpu.memory_space<hbm>>
    %dma_start3A_14 = arith.constant 0 : i32
    %dma_start3A_15 = tpu.memref_slice %arg4[%mul3A_2, %dma_start3A_14] : memref<16384x64xf32, #tpu.memory_space<hbm>> -> memref<512x64xf32, #tpu.memory_space<hbm>>
    tpu.enqueue_dma source(%dma_start3A_15 : memref<512x64xf32, #tpu.memory_space<hbm>>) target(%arg14 : memref<512x64xf32, #tpu.memory_space<vmem>>) target_semaphore(%arg18 : memref<!tpu.dma_semaphore, #tpu.memory_space<semaphore_mem>>)
    %dma_wait3A = arith.constant 0 : i32
    %dma_wait3A_16 = arith.constant 0 : i32
    %dma_wait3A_17 = tpu.memref_slice %arg5[%dma_wait3A, %dma_wait3A_16] : memref<1000000x64xf32, #tpu.memory_space<hbm>> -> memref<1000000x64xf32, #tpu.memory_space<hbm>>
    tpu.wait_indirect_dma semaphore(%arg18 : memref<!tpu.dma_semaphore, #tpu.memory_space<semaphore_mem>>) src(%dma_wait3A_17 : memref<1000000x64xf32, #tpu.memory_space<hbm>>) dst(%arg12 : memref<512x64xf32, #tpu.memory_space<vmem>>)
    %dma_wait3A_18 = arith.constant 0 : i32
    %dma_wait3A_19 = arith.constant 0 : i32
    %dma_wait3A_20 = tpu.memref_slice %arg6[%dma_wait3A_18, %dma_wait3A_19] : memref<100000x64xf32, #tpu.memory_space<hbm>> -> memref<100000x64xf32, #tpu.memory_space<hbm>>
    tpu.wait_indirect_dma semaphore(%arg18 : memref<!tpu.dma_semaphore, #tpu.memory_space<semaphore_mem>>) src(%dma_wait3A_20 : memref<100000x64xf32, #tpu.memory_space<hbm>>) dst(%arg13 : memref<512x64xf32, #tpu.memory_space<vmem>>)
    %dma_wait3A_21 = arith.constant 0 : i32
    %dma_wait3A_22 = tpu.memref_slice %arg7[%dma_wait3A_21] : memref<1000000xf32, #tpu.memory_space<hbm>> -> memref<1000000xf32, #tpu.memory_space<hbm>>
    tpu.wait_indirect_dma semaphore(%arg18 : memref<!tpu.dma_semaphore, #tpu.memory_space<semaphore_mem>>) src(%dma_wait3A_22 : memref<1000000xf32, #tpu.memory_space<hbm>>) dst(%arg15 : memref<512xf32, #tpu.memory_space<vmem>>)
    %dma_wait3A_23 = arith.constant 0 : i32
    %dma_wait3A_24 = tpu.memref_slice %arg8[%dma_wait3A_23] : memref<100000xf32, #tpu.memory_space<hbm>> -> memref<100000xf32, #tpu.memory_space<hbm>>
    tpu.wait_indirect_dma semaphore(%arg18 : memref<!tpu.dma_semaphore, #tpu.memory_space<semaphore_mem>>) src(%dma_wait3A_24 : memref<100000xf32, #tpu.memory_space<hbm>>) dst(%arg16 : memref<512xf32, #tpu.memory_space<vmem>>)
    %dma_wait3A_25 = arith.constant 0 : i32
    %dma_wait3A_26 = tpu.memref_slice %arg4[%mul3A_2, %dma_wait3A_25] : memref<16384x64xf32, #tpu.memory_space<hbm>> -> memref<512x64xf32, #tpu.memory_space<hbm>>
    %dma_wait3A_27 = arith.constant 0 : i32
    %dma_wait3A_28 = tpu.memref_slice %arg4[%mul3A_2, %dma_wait3A_27] : memref<16384x64xf32, #tpu.memory_space<hbm>> -> memref<512x64xf32, #tpu.memory_space<hbm>>
    tpu.wait_dma2 semaphore(%arg18 : memref<!tpu.dma_semaphore, #tpu.memory_space<semaphore_mem>>) src(%dma_wait3A_28 : memref<512x64xf32, #tpu.memory_space<hbm>>) dst(%arg14 : memref<512x64xf32, #tpu.memory_space<vmem>>)
    %scan3A = arith.constant 0 : i32
    %scan3A_29 = arith.constant 0 : i32
    %scan3A_30 = arith.constant 32 : i32
    %scan3A_31 = arith.addi %scan3A_29, %scan3A_30 : i32
    %scan3A_32 = arith.constant 1 : i32
    %scan3A_33 = scf.for %scan3A_35 = %scan3A_29 to %scan3A_31 step %scan3A_32 iter_args(%scan3A_36 = %scan3A) -> (i32)  : i32 {
      %mul3A_37 = arith.constant 16 : i32
      %mul3A_38 = arith.muli %scan3A_35, %mul3A_37 : i32
      %iota3A = tpu.iota {dimensions = array<i32: 0>} : vector<16xi32>
      %add3A_39 = vector.broadcast %mul3A_38 : i32 to vector<16xi32>
      %add3A_40 = arith.addi %add3A_39, %iota3A : vector<16xi32>
      %get3A = arith.index_cast %mul3A_38 : i32 to index
      %get3A_41 = tpu.vector_load %arg15[%get3A] {strides = array<i32>} : memref<512xf32, #tpu.memory_space<vmem>>, vector<16xf32>,
      %get3A_42 = arith.index_cast %mul3A_38 : i32 to index
      %get3A_43 = tpu.vector_load %arg16[%get3A_42] {strides = array<i32>} : memref<512xf32, #tpu.memory_space<vmem>>, vector<16xf32>,
      %add3A_44 = arith.addf %get3A_41, %get3A_43 : vector<16xf32>
      %scan3A_45 = arith.constant 0 : i32
      %scan3A_46 = arith.constant 64 : i32
      %scan3A_47 = arith.addi %scan3A_45, %scan3A_46 : i32
      %scan3A_48 = arith.constant 8 : i32
      %scan3A_49 = scf.for %scan3A_53 = %scan3A_45 to %scan3A_47 step %scan3A_48 iter_args(%scan3A_54 = %add3A_44) -> (vector<16xf32>)  : i32 {
        %broadcast_in_dim3A = vector.broadcast %scan3A_53 : i32 to vector<16xi32>
        %gather3A = tpu.vector_load_idx %arg12[%add3A_40, %broadcast_in_dim3A] : memref<512x64xf32, #tpu.memory_space<vmem>>[vector<16xi32>, vector<16xi32>], vector<16xf32>,
        %gather3A_55 = tpu.vector_load_idx %arg13[%add3A_40, %broadcast_in_dim3A] : memref<512x64xf32, #tpu.memory_space<vmem>>[vector<16xi32>, vector<16xi32>], vector<16xf32>,
        %gather3A_56 = tpu.vector_load_idx %arg14[%add3A_40, %broadcast_in_dim3A] : memref<512x64xf32, #tpu.memory_space<vmem>>[vector<16xi32>, vector<16xi32>], vector<16xf32>,
        %add3A_57 = arith.addf %gather3A_55, %gather3A_56 : vector<16xf32>
        %mul3A_58 = arith.mulf %gather3A, %add3A_57 : vector<16xf32>
        %add3A_59 = arith.addf %scan3A_54, %mul3A_58 : vector<16xf32>
        %scan3A_60 = arith.constant 1 : i32
        %scan3A_61 = arith.addi %scan3A_53, %scan3A_60 : i32
        %broadcast_in_dim3A_62 = vector.broadcast %scan3A_61 : i32 to vector<16xi32>
        %gather3A_63 = tpu.vector_load_idx %arg12[%add3A_40, %broadcast_in_dim3A_62] : memref<512x64xf32, #tpu.memory_space<vmem>>[vector<16xi32>, vector<16xi32>], vector<16xf32>,
        %gather3A_64 = tpu.vector_load_idx %arg13[%add3A_40, %broadcast_in_dim3A_62] : memref<512x64xf32, #tpu.memory_space<vmem>>[vector<16xi32>, vector<16xi32>], vector<16xf32>,
        %gather3A_65 = tpu.vector_load_idx %arg14[%add3A_40, %broadcast_in_dim3A_62] : memref<512x64xf32, #tpu.memory_space<vmem>>[vector<16xi32>, vector<16xi32>], vector<16xf32>,
        %add3A_66 = arith.addf %gather3A_64, %gather3A_65 : vector<16xf32>
        %mul3A_67 = arith.mulf %gather3A_63, %add3A_66 : vector<16xf32>
        %add3A_68 = arith.addf %add3A_59, %mul3A_67 : vector<16xf32>
        %scan3A_69 = arith.constant 2 : i32
        %scan3A_70 = arith.addi %scan3A_53, %scan3A_69 : i32
        %broadcast_in_dim3A_71 = vector.broadcast %scan3A_70 : i32 to vector<16xi32>
        %gather3A_72 = tpu.vector_load_idx %arg12[%add3A_40, %broadcast_in_dim3A_71] : memref<512x64xf32, #tpu.memory_space<vmem>>[vector<16xi32>, vector<16xi32>], vector<16xf32>,
        %gather3A_73 = tpu.vector_load_idx %arg13[%add3A_40, %broadcast_in_dim3A_71] : memref<512x64xf32, #tpu.memory_space<vmem>>[vector<16xi32>, vector<16xi32>], vector<16xf32>,
        %gather3A_74 = tpu.vector_load_idx %arg14[%add3A_40, %broadcast_in_dim3A_71] : memref<512x64xf32, #tpu.memory_space<vmem>>[vector<16xi32>, vector<16xi32>], vector<16xf32>,
        %add3A_75 = arith.addf %gather3A_73, %gather3A_74 : vector<16xf32>
        %mul3A_76 = arith.mulf %gather3A_72, %add3A_75 : vector<16xf32>
        %add3A_77 = arith.addf %add3A_68, %mul3A_76 : vector<16xf32>
        %scan3A_78 = arith.constant 3 : i32
        %scan3A_79 = arith.addi %scan3A_53, %scan3A_78 : i32
        %broadcast_in_dim3A_80 = vector.broadcast %scan3A_79 : i32 to vector<16xi32>
        %gather3A_81 = tpu.vector_load_idx %arg12[%add3A_40, %broadcast_in_dim3A_80] : memref<512x64xf32, #tpu.memory_space<vmem>>[vector<16xi32>, vector<16xi32>], vector<16xf32>,
        %gather3A_82 = tpu.vector_load_idx %arg13[%add3A_40, %broadcast_in_dim3A_80] : memref<512x64xf32, #tpu.memory_space<vmem>>[vector<16xi32>, vector<16xi32>], vector<16xf32>,
        %gather3A_83 = tpu.vector_load_idx %arg14[%add3A_40, %broadcast_in_dim3A_80] : memref<512x64xf32, #tpu.memory_space<vmem>>[vector<16xi32>, vector<16xi32>], vector<16xf32>,
        %add3A_84 = arith.addf %gather3A_82, %gather3A_83 : vector<16xf32>
        %mul3A_85 = arith.mulf %gather3A_81, %add3A_84 : vector<16xf32>
        %add3A_86 = arith.addf %add3A_77, %mul3A_85 : vector<16xf32>
        %scan3A_87 = arith.constant 4 : i32
        %scan3A_88 = arith.addi %scan3A_53, %scan3A_87 : i32
        %broadcast_in_dim3A_89 = vector.broadcast %scan3A_88 : i32 to vector<16xi32>
        %gather3A_90 = tpu.vector_load_idx %arg12[%add3A_40, %broadcast_in_dim3A_89] : memref<512x64xf32, #tpu.memory_space<vmem>>[vector<16xi32>, vector<16xi32>], vector<16xf32>,
        %gather3A_91 = tpu.vector_load_idx %arg13[%add3A_40, %broadcast_in_dim3A_89] : memref<512x64xf32, #tpu.memory_space<vmem>>[vector<16xi32>, vector<16xi32>], vector<16xf32>,
        %gather3A_92 = tpu.vector_load_idx %arg14[%add3A_40, %broadcast_in_dim3A_89] : memref<512x64xf32, #tpu.memory_space<vmem>>[vector<16xi32>, vector<16xi32>], vector<16xf32>,
        %add3A_93 = arith.addf %gather3A_91, %gather3A_92 : vector<16xf32>
        %mul3A_94 = arith.mulf %gather3A_90, %add3A_93 : vector<16xf32>
        %add3A_95 = arith.addf %add3A_86, %mul3A_94 : vector<16xf32>
        %scan3A_96 = arith.constant 5 : i32
        %scan3A_97 = arith.addi %scan3A_53, %scan3A_96 : i32
        %broadcast_in_dim3A_98 = vector.broadcast %scan3A_97 : i32 to vector<16xi32>
        %gather3A_99 = tpu.vector_load_idx %arg12[%add3A_40, %broadcast_in_dim3A_98] : memref<512x64xf32, #tpu.memory_space<vmem>>[vector<16xi32>, vector<16xi32>], vector<16xf32>,
        %gather3A_100 = tpu.vector_load_idx %arg13[%add3A_40, %broadcast_in_dim3A_98] : memref<512x64xf32, #tpu.memory_space<vmem>>[vector<16xi32>, vector<16xi32>], vector<16xf32>,
        %gather3A_101 = tpu.vector_load_idx %arg14[%add3A_40, %broadcast_in_dim3A_98] : memref<512x64xf32, #tpu.memory_space<vmem>>[vector<16xi32>, vector<16xi32>], vector<16xf32>,
        %add3A_102 = arith.addf %gather3A_100, %gather3A_101 : vector<16xf32>
        %mul3A_103 = arith.mulf %gather3A_99, %add3A_102 : vector<16xf32>
        %add3A_104 = arith.addf %add3A_95, %mul3A_103 : vector<16xf32>
        %scan3A_105 = arith.constant 6 : i32
        %scan3A_106 = arith.addi %scan3A_53, %scan3A_105 : i32
        %broadcast_in_dim3A_107 = vector.broadcast %scan3A_106 : i32 to vector<16xi32>
        %gather3A_108 = tpu.vector_load_idx %arg12[%add3A_40, %broadcast_in_dim3A_107] : memref<512x64xf32, #tpu.memory_space<vmem>>[vector<16xi32>, vector<16xi32>], vector<16xf32>,
        %gather3A_109 = tpu.vector_load_idx %arg13[%add3A_40, %broadcast_in_dim3A_107] : memref<512x64xf32, #tpu.memory_space<vmem>>[vector<16xi32>, vector<16xi32>], vector<16xf32>,
        %gather3A_110 = tpu.vector_load_idx %arg14[%add3A_40, %broadcast_in_dim3A_107] : memref<512x64xf32, #tpu.memory_space<vmem>>[vector<16xi32>, vector<16xi32>], vector<16xf32>,
        %add3A_111 = arith.addf %gather3A_109, %gather3A_110 : vector<16xf32>
        %mul3A_112 = arith.mulf %gather3A_108, %add3A_111 : vector<16xf32>
        %add3A_113 = arith.addf %add3A_104, %mul3A_112 : vector<16xf32>
        %scan3A_114 = arith.constant 7 : i32
        %scan3A_115 = arith.addi %scan3A_53, %scan3A_114 : i32
        %broadcast_in_dim3A_116 = vector.broadcast %scan3A_115 : i32 to vector<16xi32>
        %gather3A_117 = tpu.vector_load_idx %arg12[%add3A_40, %broadcast_in_dim3A_116] : memref<512x64xf32, #tpu.memory_space<vmem>>[vector<16xi32>, vector<16xi32>], vector<16xf32>,
        %gather3A_118 = tpu.vector_load_idx %arg13[%add3A_40, %broadcast_in_dim3A_116] : memref<512x64xf32, #tpu.memory_space<vmem>>[vector<16xi32>, vector<16xi32>], vector<16xf32>,
        %gather3A_119 = tpu.vector_load_idx %arg14[%add3A_40, %broadcast_in_dim3A_116] : memref<512x64xf32, #tpu.memory_space<vmem>>[vector<16xi32>, vector<16xi32>], vector<16xf32>,
        %add3A_120 = arith.addf %gather3A_118, %gather3A_119 : vector<16xf32>
        %mul3A_121 = arith.mulf %gather3A_117, %add3A_120 : vector<16xf32>
        %add3A_122 = arith.addf %add3A_113, %mul3A_121 : vector<16xf32>
        scf.yield %add3A_122 : vector<16xf32>
      }
      %scan3A_50 = arith.constant 64 : i32
      %swap3A = arith.index_cast %mul3A_38 : i32 to index
      %swap3A_51 = tpu.vector_load %arg17[%swap3A] {strides = array<i32>} : memref<512xf32, #tpu.memory_space<vmem>>, vector<16xf32>,
      tpu.vector_store %arg17[%swap3A], %scan3A_49 {strides = array<i32>} : memref<512xf32, #tpu.memory_space<vmem>>, vector<16xf32>,
      %scan3A_52 = arith.constant 0 : i32
      scf.yield %scan3A_52 : i32
    }
    %scan3A_34 = arith.constant 32 : i32
    "tpu.region"() ({
      %run_scoped3A = tpu.sem_alloc : memref<!tpu.dma_semaphore, #tpu.memory_space<semaphore_mem>>
      %dma_start3A_35 = tpu.memref_slice %arg9[%mul3A_2] : memref<16384xf32, #tpu.memory_space<hbm>> -> memref<512xf32, #tpu.memory_space<hbm>>
      %dma_start3A_36 = tpu.memref_slice %arg9[%mul3A_2] : memref<16384xf32, #tpu.memory_space<hbm>> -> memref<512xf32, #tpu.memory_space<hbm>>
      tpu.enqueue_dma source(%arg17 : memref<512xf32, #tpu.memory_space<vmem>>) target(%dma_start3A_36 : memref<512xf32, #tpu.memory_space<hbm>>) target_semaphore(%run_scoped3A : memref<!tpu.dma_semaphore, #tpu.memory_space<semaphore_mem>>)
      %dma_wait3A_37 = tpu.memref_slice %arg9[%mul3A_2] : memref<16384xf32, #tpu.memory_space<hbm>> -> memref<512xf32, #tpu.memory_space<hbm>>
      %dma_wait3A_38 = tpu.memref_slice %arg9[%mul3A_2] : memref<16384xf32, #tpu.memory_space<hbm>> -> memref<512xf32, #tpu.memory_space<hbm>>
      tpu.wait_dma2 semaphore(%run_scoped3A : memref<!tpu.dma_semaphore, #tpu.memory_space<semaphore_mem>>) src(%arg17 : memref<512xf32, #tpu.memory_space<vmem>>) dst(%dma_wait3A_38 : memref<512xf32, #tpu.memory_space<hbm>>)
      tpu.yield
    }) : () -> ()
    return
  }
}

</mosaic_0001>

<sc_bundles>
// kernel: kernel.3.cloned.1.call-start
scs
__scs_entry_jumppad:
0x0: {  	(pc) =	sbr.rel $0x88, $3  }
0x1: {  	(tag) =	ssettag $0x0;
	lr =	simm.s32 $0x1  }
0x2: {  	[smem:$0x3F9A] =	sst lr;
	_ =	strace $0xD0000000  }
0x3: {  	_ = 	snop  }
0x4: {  	_ = 	snop  }
0x5: {  	_ = 	snop  }
0x6: {  	_ = 	snop  }
0x7: {  	_ = 	snop  }
__scs_overlays_trampoline_lowered:
0x8: {  	[smem:$0x3FA9] =	sst s0  }
0x9: {  	[smem:$0x3FAA] =	sst s1  }
0xa: {  	[smem:$0x3FAB] =	sst s2  }
0xb: {  	[smem:$0x3FAC] =	sst s3  }
0xc: {  	[smem:$0x3FAD] =	sst s4  }
0xd: {  	[smem:$0x3FAE] =	sst s5  }
0xe: {  	[smem:$0x3FAF] =	sst s6  }
0xf: {  	[smem:$0x3FB0] =	sst s7  }
0x10: {  	[smem:$0x3FB1] =	sst s8  }
0x11: {  	[smem:$0x3FB2] =	sst s9;
	s0 =	simm.s32 @!p0 $0x0  }
0x12: {  	s1 =	sld [smem:$0x3F98];
	s0 =	simm.s32 @p0 $0x1  }
0x13: {  	[smem:$0x3FB3] =	sst s0;
	s0 =	simm.s32 @!p1 $0x0  }
0x14: {  	s2 =	sld [smem:$0x3F97];
	s0 =	simm.s32 @p1 $0x1  }
0x15: {  	[smem:$0x3FB4] =	sst s0;
	s0 =	simm.s32 @!p2 $0x0  }
0x16: {  	s3 =	sld [smem:$0x3FDB];
	s0 =	simm.s32 @p2 $0x1  }
0x17: {  	s4 =	simm.s32 $0x1BF5;
	[smem:$0x3FB6] =	sst s0  }
0x18: {  	s0 =	sld [smem:$0x3F99];
	_ =	swait.ge [sflag:s4], $0x0  }
0x19: {  	s7 =	sld [smem:$0x3F9A]  }
0x1a: {  	s8 =	sadd.s32 $0xFFFFE003, lr  }
0x1b: {  	s9 =	sadd.s32 $0xFFFFFEF7, lr;
	s5 =	simm.s32 $0xFFFFFFFF;
	p2 =	slt.u32 s8, $0xFFFFF086  }
0x1c: {  	p1 =	slt.u32 s9, $0xF7A;
	s5 =	simm.s32 @!p2 $0x0  }
0x1d: {  	s5 =	simm.s32 @p1 $0x1;
	p0 =	seq.s32 s7, s2  }
0x1e: {  	s7 =	smul.u32 @!p0 $0xF7A, s2;
	p2 =	seq.s32 @!p0 s5, $0x0  }
0x1f: {  	s9 =	smul.u32 $0xF7A, s1;
	s8 =	simm.s32 @!p0 $0x1BF5;
	p2 =	por !p2, p0  }
0x20: {  	[sflag:s8] =	ssyncset.s32 @!p0 $0xFFFFF086;
	s6 =	sadd.s32 @!p0 s3, s7;
	s7 =	simm.s32 @!p0 $0x108  }
0x21: {  	s3 =	sadd.s32 s3, s9;
	s6 =	sadd.s32 @!p0 $0x88, s6;
	s7 =	simm.s32 @p2 $0x1082  }
0x22: {  	[simem:s7], [sflag:s8] =	dma.local @!p0 [hbm:s6], $0xF7A  }
0x23: {  	s9 =	sor.u32 $0xD0000000, s2;
	s6 =	simm.s32 $0x108;
	_ =	swait.ge @!p0 [sflag:s8], $0x0  }
0x24: {  	s3 =	sadd.s32 $0x88, s3;
	s6 =	simm.s32 @!p1 $0x1082;
	[sflag:s4] =	ssyncset.s32 $0xFFFFF086  }
0x25: {  	[simem:s6], [sflag:s4] =	dma.local [hbm:s3], $0xF7A  }
0x26: {  	[smem:$0x3F9A] =	sst s1;
	(tag) =	ssettag s2;
	_ =	strace s9  }
0x27: {  	s1 =	sld [smem:$0x3FAA]  }
0x28: {  	s2 =	sld [smem:$0x3FAB]  }
0x29: {  	s4 =	sld [smem:$0x3FAD]  }
0x2a: {  	p0 =	seq.s32 s5, $0x0;
	s5 =	sld [smem:$0x3FAE]  }
0x2b: {  	s6 =	sld [smem:$0x3FAF]  }
0x2c: {  	s7 =	sld [smem:$0x3FB0]  }
0x2d: {  	s3 =	simm.s32 $0x108;
	s8 =	sld [smem:$0x3FB1]  }
0x2e: {  	s3 =	simm.s32 @!p0 $0x1082;
	s9 =	sld [smem:$0x3FB2]  }
0x2f: {  	lr =	sadd.s32 s0, s3;
	s0 =	sld [smem:$0x3FA9]  }
0x30: {  	s3 =	sld [smem:$0x3FAC]  }
0x31: {  	[smem:$0x3FB5] =	sst s10  }
0x32: {  	s10 =	sld [smem:$0x3FB3];
	_ =	sdelay $0x3  }
0x33: {  	p0 =	seq.s32 s10, $0x1;
	s10 =	sld [smem:$0x3FB5];
	_ =	sdelay $0x3  }
0x34: {  	[smem:$0x3FB5] =	sst s10  }
0x35: {  	s10 =	sld [smem:$0x3FB4];
	_ =	sdelay $0x3  }
0x36: {  	p1 =	seq.s32 s10, $0x1;
	s10 =	sld [smem:$0x3FB5];
	_ =	sdelay $0x3  }
0x37: {  	[smem:$0x3FB5] =	sst s10  }
0x38: {  	s10 =	sld [smem:$0x3FB6]  }
0x39: {  	_ = 	snop;
	(pc) =	sbr.ind lr, $3  }
0x3a: {  	_ = 	snop  }
0x3b: {  	_ = 	snop  }
0x3c: {  	p2 =	seq.s32 s10, $0x1;
	s10 =	sld [smem:$0x3FB5]  }
0x3d: {  	_ =	shalt  }
0x3e: {  	_ =	shalt  }
0x3f: {  	_ =	shalt  }
0x40: {  	_ =	shalt  }
0x41: {  	_ =	shalt  }
0x42: {  	_ =	shalt  }
0x43: {  	_ =	shalt  }
0x44: {  	_ =	shalt  }
0x45: {  	_ =	shalt  }
0x46: {  	_ =	shalt  }
0x47: {  	_ =	shalt  }
0x48: {  	_ =	shalt  }
0x49: {  	_ =	shalt  }
0x4a: {  	_ =	shalt  }
0x4b: {  	_ =	shalt  }
0x4c: {  	_ =	shalt  }
0x4d: {  	_ =	shalt  }
0x4e: {  	_ =	shalt  }
0x4f: {  	_ =	shalt  }
0x50: {  	_ =	shalt  }
0x51: {  	_ =	shalt  }
0x52: {  	_ =	shalt  }
0x53: {  	_ =	shalt  }
0x54: {  	_ =	shalt  }
0x55: {  	_ =	shalt  }
0x56: {  	_ =	shalt  }
0x57: {  	_ =	shalt  }
0x58: {  	_ =	shalt  }
0x59: {  	_ =	shalt  }
0x5a: {  	_ =	shalt  }
0x5b: {  	_ =	shalt  }
0x5c: {  	_ =	shalt  }
0x5d: {  	_ =	shalt  }
0x5e: {  	_ =	shalt  }
0x5f: {  	_ =	shalt  }
0x60: {  	_ =	shalt  }
0x61: {  	_ =	shalt  }
0x62: {  	_ =	shalt  }
0x63: {  	_ =	shalt  }
0x64: {  	_ =	shalt  }
0x65: {  	_ =	shalt  }
0x66: {  	_ =	shalt  }
0x67: {  	_ =	shalt  }
0x68: {  	_ =	shalt  }
0x69: {  	_ =	shalt  }
0x6a: {  	_ =	shalt  }
0x6b: {  	_ =	shalt  }
0x6c: {  	_ =	shalt  }
0x6d: {  	_ =	shalt  }
0x6e: {  	_ =	shalt  }
0x6f: {  	_ =	shalt  }
0x70: {  	_ =	shalt  }
0x71: {  	_ =	shalt  }
0x72: {  	_ =	shalt  }
0x73: {  	_ =	shalt  }
0x74: {  	_ =	shalt  }
0x75: {  	_ =	shalt  }
0x76: {  	_ =	shalt  }
0x77: {  	_ =	shalt  }
0x78: {  	_ =	shalt  }
0x79: {  	_ =	shalt  }
0x7a: {  	_ =	shalt  }
0x7b: {  	_ =	shalt  }
0x7c: {  	_ =	shalt  }
0x7d: {  	_ =	shalt  }
0x7e: {  	_ =	shalt  }
0x7f: {  	_ =	shalt  }
0x80: {  	_ =	shalt  }
0x81: {  	_ =	shalt  }
0x82: {  	_ =	shalt  }
0x83: {  	_ =	shalt  }
0x84: {  	_ =	shalt  }
0x85: {  	_ =	shalt  }
0x86: {  	_ =	shalt  }
0x87: {  	_ =	shalt  }
.Lfunc_end0:
.L_simem_size_0:
called_computation_lowered:
.L_overlay_start_0:
0x88: {  	s2 =	sld [smem:$0x3FD9]  }
0x89: {  	s3 =	sld [smem:$0x3FFE];
	_ =	sdelay $0x1  }
0x8a: {  	s1 =	srdreg.scid  }
0x8b: {  	s0 =	sand.u32 $0x1, s1  }
0x8c: {  	s17 =	sshll.u32 s0, $0xA;
	s2 =	sadd.s32 s3, s2  }
0x8d: {  	s2 =	sadd.s32 s2, s17  }
0x8e: {  	[smem:$0x3FC1] =	sst s2  }
0x8f: {  	_ = 	snop  }
0x90: {  	s2 =	sld [smem:$0x3FC9]  }
0x91: {  	s18 =	sld [smem:$0x3FC8]  }
0x92: {  	s4 =	sld [smem:$0x3FD0];
	(tm) =	ssettm $0x1  }
0x93: {  	s5 =	sld [smem:$0x3FFB];
	_ =	sdelay $0x3  }
0x94: {  	_ =	strace s5  }
0x95: {  	s5 =	sld [smem:$0x3FFC];
	_ =	sdelay $0x3  }
0x96: {  	_ =	strace s5  }
0x97: {  	s5 =	sld [smem:$0x3FFD];
	_ =	sdelay $0x3  }
0x98: {  	_ =	strace s5  }
0x99: {  	_ =	strace $0x8FFFFFFF  }
0x9a: {  	s19 =	sld [smem:$0x3FDB];
	_ =	sdelay $0x1  }
0x9b: {  	s6 =	simm.s32 $_scs_section_size  }
0x9c: {  	s7 =	simm.s32 $_size__tile_overlayer_lowered;
	s8 =	simm.s32 $_tile_overlayer_lowered  }
0x9d: {  	s22 =	simm.s32 $0x1BFF;
	s21 =	sshll.u32 s8, $0x1;
	s5 =	sadd.s32 s6, s19  }
0x9e: {  	s9 =	simm.s32 $0x0;
	s20 =	sshll.u32 s7, $0x1;
	s7 =	sadd.s32 s21, s5  }
0x9f: {  	[timem:s9], [sflag:s22] =	dma.local [hbm:s7], s20  }
0xa0: {  	_ =	swait.ge [sflag:s22], s20  }
0xa1: {  	s6 =	ssub.s32 $0x0, s20;
	[sflag:s22] =	ssyncset.done $0x0  }
0xa2: {  	[sflag:s22] =	ssyncadd.s32 s6;
	_ =	sdelay $0x1  }
0xa3: {  	s23 =	simm.s32 $0x1B8B  }
0xa4: {  	_ =	swait.ge [sflag:s23], $0x1  }
0xa5: {  	[sflag:s23] =	ssyncset.done $0x0  }
0xa6: {  	s25 =	simm.s32 $0x1B8E;
	s24 =	sld [smem:$0x3FFE];
	[sflag:s23] =	ssyncadd.s32 $0xFFFFFFFF  }
0xa7: {  	s26 =	simm.s32 $execute0_lowered;
	[smem:$0x3FD2] =	sst s25  }
0xa8: {  	s7 =	sshll.u32 s26, $0x1;
	_ =	strace $0x80000046;
	[dreg:$0x1] =	wrdreg $0xFFFFFFFF  }
0xa9: {  	s28 =	simm.s32 $_size_execute0_lowered;
	s5 =	sadd.s32 s5, s7;
	[dreg:$0x0] =	wrdreg $0x0  }
0xaa: {  	s7 =	sshll.u32 s28, $0x1;
	[dreg:$0x2] =	wrdreg s5  }
0xab: {  	[dreg:$0x3] =	wrdreg s7  }
0xac: {  	[dreg:$0x4] =	wrdreg $0xC0  }
0xad: {  	_ =	task [dreg:s9], $0x5FFFF  }
0xae: {  	[dreg:$0x1] =	wrdreg $0xFFFFFFFF  }
0xaf: {  	[dreg:$0x0] =	wrdreg $0x60  }
0xb0: {  	[dreg:$0x2] =	wrdreg s2  }
0xb1: {  	[dreg:$0x3] =	wrdreg s18  }
0xb2: {  	[dreg:$0x4] =	wrdreg s24  }
0xb3: {  	[dreg:$0x5] =	wrdreg s4  }
0xb4: {  	[dreg:$0x6] =	wrdreg $0x9  }
0xb5: {  	_ =	task.clear_ibuf [dreg:s9], $0x7FFFF;
	_ =	strace $0x90000046  }
0xb6: {  	s29 =	simm.s32 $0x9;
	_ =	strace $0x80000048  }
0xb7: {  	_ =	swait.ge [sflag:s29], $0x1  }
0xb8: {  	[sflag:s29] =	ssyncadd.s32 $0xFFFFFFFF  }
0xb9: {  	_ =	strace $0x90000048  }
0xba: {  	_ =	sfence  }
0xbb: {  	s30 =	sld [smem:$0x0];
	_ =	sdelay $0x2  }
0xbc: {  	s31 =	sshll.u32 s1, $0xD;
	s1 =	sshrl.u32 s1, $0x2  }
0xbd: {  	s3 =	sand.u32 $0x4000, s31;
	s1 =	sadd.s32 s1, s30  }
0xbe: {  	s0 =	sor.u32 s3, s0;
	s1 =	sshll.u32 s1, $0x11  }
0xbf: {  	s0 =	sor.u32 s1, s0  }
0xc0: {  	s0 =	sadd.s32 $0x8F2B, s0  }
0xc1: {  	[sflag:s0] =	ssyncadd.remote.s32 $0x1  }
0xc2: {  	_ =	sfence.sel $0xFFFF  }
0xc3: {  	[dreg:$0x0] =	wrdreg $0xFFFFFFFF;
	(pc) =	sbr.abs _section_cstart, $3  }
0xc4: {  	[dreg:$0x1] =	wrdreg $0xFFFFFFFF  }
0xc5: {  	_ =	task.clear_ibuf [dreg:s9], $0x2FFFF;
	_ =	strace $0x9FFFFFFF  }
0xc6: {  	(tm) =	ssettm $0x7FFFFFFF  }
0xc7: {  	_ =	shalt  }
tec
execute0_lowered:
.L_overlay_start_1:
0x0: {  	(tag) =	ssettag $0x1  }
0x1: {  	s7 =	rddreg [dreg:$0x0]  }
0x2: {  	s8 =	rddreg [dreg:$0x1]  }
0x3: {  	s6 =	rddreg [dreg:$0x2]  }
0x4: {  	s10 =	rddreg [dreg:$0x3]  }
0x5: {  	s2 =	srdreg.scid;
	s0 =	rddreg [dreg:$0x4]  }
0x6: {  	s1 =	stileid.u32;
	s14 =	simm.s32 $0x400;
	s15 =	simm.s32 $0x8400  }
0x7: {  	s16 =	simm.s32 $0x18400;
	s17 =	simm.s32 $0x18600;
	s18 =	simm.s32 $0x10400  }
0x8: {  	s19 =	simm.s32 $0x1;
	s20 =	simm.s32 $0x18800;
	s21 =	simm.s32 $0x0  }
0x9: {  	s4 =	sand.u32 $0x1, s2;
	s2 =	simm.s32 $0x0;
	s3 =	sshll.u32 s1, $0xA  }
0xa: {  	s5 =	sshll.u32 s4, $0x9;
	[smem:$0x7FF] =	sst s2;
	s12 =	ssub.s32 $0x2, s4  }
0xb: {  	s4 =	sadd.s32 $0x186C00, s6;
	s9 =	sor.u32 s5, s3;
	_ =	strace $0x80000047  }
0xc: {  	s5 =	sadd.s32 $0x20200, s6;
	s13 =	sshrl.u32 s12, $0x1;
	s3 =	sshll.u32 s9, $0x3  }
0xd: {  	s12 =	ssub.s32 s12, s13;
	s31 =	sshrl.u32 s9, $0x3;
	s13 =	simm.s32 $0x200  }
0xe: {  	s11 =	sadd.s32 s3, s6;
	s3 =	sadd.s32 $0xF42600, s6;
	s6 =	sadd.s32 $0x3EC00, s6  }
0xf: {  	v0 =	vlaneseq.u32;
	v1 =	vimm.s32 $0x0;
	vm0 =	vcmask $0x300;
	s7 =	sadd.s32 s7, s31;
	s8 =	sadd.s32 s8, s31;
	s10 =	sadd.s32 s10, s31  }
0x10: {  	v0 =	vmul.u32 $0x40, v0;
	v1 =	vsel vm0, $0x3, v1;
	s9 =	sadd.s32 $0x200, s11;
	s11 =	smax.u32 s12, $0x1;
	s12 =	simm.s32 $0x2  }
.LBB2_1:
0x11: {  	[tilespmem:s2], [sflag:$0x2] =	stream.linear.gather [hbm4b:s7+s2], $0x200, $0x38;
	[tilespmem:$0x18A00] =	vst v63  }
0x12: {  	_ =	swait.ge [sflag:s12], $0x200  }
0x13: {  	[sflag:s12] =	ssyncset.done $0x0  }
0x14: {  	[sflag:s12] =	ssyncadd.s32 $0xFFFFFE00  }
0x15: {  	[tilespmem:s13], [sflag:$0x2] =	stream.linear.gather [hbm4b:s8+s2], $0x200, $0x38;
	[tilespmem:$0x18A00] =	vst v63  }
0x16: {  	_ =	swait.ge [sflag:s12], $0x200  }
0x17: {  	[sflag:s12] =	ssyncset.done $0x0  }
0x18: {  	[sflag:s12] =	ssyncadd.s32 $0xFFFFFE00  }
0x19: {  	[tilespmem:s14], [sflag:$0x1] =	stream.indirect.gather [hbm4b:s3+s13], $0x40, s2, s13, $0xb8;
	[tilespmem:$0x18A00] =	vst v63  }
0x1a: {  	_ = 	snop  }
0x1b: {  	[tilespmem:s15], [sflag:$0x1] =	stream.indirect.gather [hbm4b:s4+s13], $0x40, s13, s13, $0xb8;
	[tilespmem:$0x18A00] =	vst v63  }
0x1c: {  	_ = 	snop  }
0x1d: {  	[tilespmem:s16], [sflag:$0x1] =	stream.indirect.gather [hbm4b:s5+s13], $0x1, s2, s13, $0xb8;
	[tilespmem:$0x18A00] =	vst v63  }
0x1e: {  	_ = 	snop  }
0x1f: {  	[tilespmem:s17], [sflag:$0x1] =	stream.indirect.gather [hbm4b:s6+s13], $0x1, s13, s13, $0xb8;
	[tilespmem:$0x18A00] =	vst v63  }
0x20: {  	_ = 	snop  }
0x21: {  	[tilespmem:s18], [sflag:$0x1] =	stream.linear.gather [hbm4b:s9+s2], $0x8000, $0x38;
	[tilespmem:$0x18A00] =	vst v63  }
0x22: {  	_ =	swait.ge [sflag:s19], $0x8000  }
0x23: {  	[sflag:s19] =	ssyncset.done $0x0  }
0x24: {  	[sflag:s19] =	ssyncadd.s32 $0xFFFF8000  }
0x25: {  	_ =	swait.ge [sflag:s19], $0x8000  }
0x26: {  	[sflag:s19] =	ssyncset.done $0x0  }
0x27: {  	[sflag:s19] =	ssyncadd.s32 $0xFFFF8000  }
0x28: {  	_ =	swait.ge [sflag:s19], $0x200  }
0x29: {  	[sflag:s19] =	ssyncset.done $0x0  }
0x2a: {  	[sflag:s19] =	ssyncadd.s32 $0xFFFFFE00  }
0x2b: {  	_ =	swait.ge [sflag:s19], $0x200  }
0x2c: {  	[sflag:s19] =	ssyncset.done $0x0  }
0x2d: {  	[sflag:s19] =	ssyncadd.s32 $0xFFFFFE00  }
0x2e: {  	_ =	swait.ge [sflag:s19], $0x8000  }
0x2f: {  	[sflag:s19] =	ssyncset.done $0x0  }
0x30: {  	s22 =	simm.s32 $0x0;
	[sflag:s19] =	ssyncadd.s32 $0xFFFF8000  }
.LBB2_2:
0x31: {  	s24 =	simm.s32 $0x0  }
0x32: {  	v2 =	vmov s24  }
0x33: {  	s23 =	sshll.u32 s22, $0x4;
	v2 =	vshrl.u32 v2, $0x3  }
0x34: {  	v3 =	vmov s23;
	v4 =	vshll.u32 v2, v1  }
0x35: {  	v2 =	vshll.u32 v3, $0x6;
	v3 =	vbroadcast v4, $0x0  }
0x36: {  	v2 =	vor.u32 v0, v2  }
0x37: {  	v5 =	vor.u32 $0x6, v4;
	v6 =	vor.u32 v2, v3  }
0x38: {  	v7 =	vor.u32 $0x4, v4;
	v5 =	vbroadcast v5, $0x0  }
0x39: {  	v9 =	vor.u32 $0x3, v4;
	v7 =	vbroadcast v7, $0x0;
	v3 =	vor.u32 $0x5, v4  }
0x3a: {  	v17 =	vld [tilespmem:s23+$0x18400];
	v9 =	vbroadcast v9, $0x0;
	v8 =	vbroadcast v3, $0x0;
	v3 =	vor.u32 v2, v5  }
0x3b: {  	v19 =	vld [tilespmem:s23+$0x18600];
	v12 =	vor.u32 $0x1, v4;
	v10 =	vor.u32 v2, v7  }
0x3c: {  	v7 =	vbroadcast v12, $0x0;
	v14 =	vor.u32 v2, v9;
	v11 =	vld.idx.msk [tilespmem:v6+s14+$0x0], $0xffff  }
0x3d: {  	v5 =	vor.u32 $0x2, v4;
	v8 =	vor.u32 v2, v8;
	v13 =	vld.idx.msk [tilespmem:v6+s15+$0x0], $0xffff  }
0x3e: {  	v5 =	vbroadcast v5, $0x0;
	v20 =	vor.u32 v2, v7;
	v16 =	vld.idx.msk [tilespmem:v6+s18+$0x0], $0xffff  }
0x3f: {  	v6 =	vld.idx.msk [tilespmem:v3+s14+$0x0], $0xffff  }
0x40: {  	v18 =	vor.u32 v2, v5;
	v7 =	vld.idx.msk [tilespmem:v10+s14+$0x0], $0xffff  }
0x41: {  	v9 =	vld.idx.msk [tilespmem:v14+s14+$0x0], $0xffff  }
0x42: {  	v5 =	vld.idx.msk [tilespmem:v8+s14+$0x0], $0xffff  }
0x43: {  	v15 =	vld.idx.msk [tilespmem:v20+s14+$0x0], $0xffff  }
0x44: {  	v17 =	vadd.f32 v19, v17;
	v19 =	vld.idx.msk [tilespmem:v20+s15+$0x0], $0xffff  }
0x45: {  	v12 =	vld.idx.msk [tilespmem:v18+s14+$0x0], $0xffff  }
.LBB2_3:
0x46: {  	s24 =	sadd.s32 $0x8, s24;
	v20 =	vld.idx.msk [tilespmem:v20+s18+$0x0], $0xffff  }
0x47: {  	v21 =	vmov s24;
	p0 =	slt.u32 s24, $0x38;
	v22 =	vld.idx.msk [tilespmem:v18+s15+$0x0], $0xffff  }
0x48: {  	v21 =	vshrl.u32 v21, $0x3;
	v18 =	vld.idx.msk [tilespmem:v18+s18+$0x0], $0xffff  }
0x49: {  	v24 =	vor.u32 $0x7, v4;
	v23 =	vld.idx.msk [tilespmem:v14+s15+$0x0], $0xffff;
	v4 =	vshll.u32 v21, v1  }
0x4a: {  	v13 =	vadd.f32 v16, v13;
	v16 =	vbroadcast v24, $0x0;
	v21 =	vor.u32 $0x6, v4;
	v14 =	vld.idx.msk [tilespmem:v14+s18+$0x0], $0xffff  }
0x4b: {  	v24 =	vbroadcast v4, $0x0;
	v25 =	vor.u32 $0x4, v4;
	v26 =	vor.u32 $0x5, v4;
	v27 =	vld.idx.msk [tilespmem:v10+s15+$0x0], $0xffff  }
0x4c: {  	v11 =	vmul.f32 v13, v11;
	v16 =	vor.u32 v2, v16;
	v13 =	vadd.f32 v20, v19;
	v10 =	vld.idx.msk [tilespmem:v10+s18+$0x0], $0xffff  }
0x4d: {  	v20 =	vor.u32 $0x2, v4;
	v19 =	vor.u32 v2, v24;
	v24 =	vor.u32 $0x3, v4;
	v28 =	vld.idx.msk [tilespmem:v8+s15+$0x0], $0xffff  }
0x4e: {  	v11 =	vadd.f32 v11, v17;
	v13 =	vmul.f32 v13, v15;
	v15 =	vadd.f32 v18, v22;
	v17 =	vld.idx.msk [tilespmem:v8+s18+$0x0], $0xffff  }
0x4f: {  	v21 =	vbroadcast v21, $0x0;
	v18 =	vor.u32 $0x1, v4;
	v8 =	vbroadcast v26, $0x0;
	v22 =	vld.idx.msk [tilespmem:v3+s15+$0x0], $0xffff  }
0x50: {  	v11 =	vadd.f32 v13, v11;
	v12 =	vmul.f32 v15, v12;
	v13 =	vadd.f32 v14, v23;
	v15 =	vld.idx.msk [tilespmem:v3+s18+$0x0], $0xffff  }
0x51: {  	v14 =	vbroadcast v24, $0x0;
	v23 =	vbroadcast v25, $0x0;
	v3 =	vor.u32 v2, v21;
	v21 =	vld.idx.msk [tilespmem:v16+s15+$0x0], $0xffff  }
0x52: {  	v12 =	vadd.f32 v12, v11;
	v9 =	vmul.f32 v13, v9;
	v13 =	vadd.f32 v10, v27;
	v24 =	vld.idx.msk [tilespmem:v16+s18+$0x0], $0xffff  }
0x53: {  	v20 =	vbroadcast v20, $0x0;
	v8 =	vor.u32 v2, v8;
	v10 =	vor.u32 v2, v23;
	v11 =	vld.idx.msk [tilespmem:v19+s14+$0x0], $0xffff  }
0x54: {  	v9 =	vadd.f32 v9, v12;
	v7 =	vmul.f32 v13, v7;
	v12 =	vadd.f32 v17, v28;
	v17 =	vld.idx.msk [tilespmem:v16+s14+$0x0], $0xffff  }
0x55: {  	v23 =	vbroadcast v18, $0x0;
	v18 =	vor.u32 v2, v20;
	v14 =	vor.u32 v2, v14;
	v13 =	vld.idx.msk [tilespmem:v19+s15+$0x0], $0xffff  }
0x56: {  	v7 =	vadd.f32 v7, v9;
	v9 =	vmul.f32 v12, v5;
	v12 =	vadd.f32 v15, v22;
	v16 =	vld.idx.msk [tilespmem:v19+s18+$0x0], $0xffff  }
0x57: {  	v20 =	vor.u32 v2, v23;
	v22 =	vld.idx.msk [tilespmem:v3+s14+$0x0], $0xffff  }
0x58: {  	v15 =	vadd.f32 v9, v7;
	v6 =	vmul.f32 v12, v6;
	v12 =	vadd.f32 v24, v21;
	v5 =	vld.idx.msk [tilespmem:v8+s14+$0x0], $0xffff  }
.Ltmp0:
0x59: {  	v7 =	vld.idx.msk [tilespmem:v10+s14+$0x0], $0xffff;
	(pc) =	sbr.rel @p0 .LBB2_3-.Ltmp0, $4  }
0x5a: {  	v21 =	vadd.f32 v6, v15;
	v17 =	vmul.f32 v12, v17;
	v9 =	vld.idx.msk [tilespmem:v14+s14+$0x0], $0xffff  }
0x5b: {  	v12 =	vld.idx.msk [tilespmem:v18+s14+$0x0], $0xffff  }
0x5c: {  	v17 =	vadd.f32 v17, v21;
	v15 =	vld.idx.msk [tilespmem:v20+s14+$0x0], $0xffff  }
0x5d: {  	v6 =	vmov v22;
	v19 =	vld.idx.msk [tilespmem:v20+s15+$0x0], $0xffff  }
0x5e: {  	_ =	sdelay $0x3  }
0x5f: {  	v20 =	vld.idx.msk [tilespmem:v20+s18+$0x0], $0xffff  }
0x60: {  	v21 =	vld.idx.msk [tilespmem:v18+s15+$0x0], $0xffff  }
0x61: {  	v51 =	vld.idx.msk [tilespmem:v18+s18+$0x0], $0xffff  }
0x62: {  	v22 =	vld.idx.msk [tilespmem:v14+s15+$0x0], $0xffff;
	v4 =	vor.u32 $0x7, v4;
	v13 =	vadd.f32 v16, v13  }
0x63: {  	v52 =	vld.idx.msk [tilespmem:v14+s18+$0x0], $0xffff;
	v4 =	vbroadcast v4, $0x0  }
0x64: {  	v53 =	vld.idx.msk [tilespmem:v10+s15+$0x0], $0xffff;
	v11 =	vmul.f32 v13, v11;
	v54 =	vadd.f32 v20, v19  }
0x65: {  	v55 =	vld.idx.msk [tilespmem:v10+s18+$0x0], $0xffff;
	v2 =	vor.u32 v2, v4  }
0x66: {  	v56 =	vld.idx.msk [tilespmem:v8+s15+$0x0], $0xffff;
	v11 =	vadd.f32 v11, v17;
	v57 =	vadd.f32 v51, v21;
	v13 =	vmul.f32 v54, v15  }
0x67: {  	v58 =	vld.idx.msk [tilespmem:v8+s18+$0x0], $0xffff  }
0x68: {  	v59 =	vld.idx.msk [tilespmem:v3+s15+$0x0], $0xffff;
	v60 =	vadd.f32 v52, v22;
	v12 =	vmul.f32 v57, v12;
	v11 =	vadd.f32 v13, v11  }
0x69: {  	v3 =	vld.idx.msk [tilespmem:v3+s18+$0x0], $0xffff  }
0x6a: {  	v10 =	vadd.f32 v55, v53;
	v9 =	vmul.f32 v60, v9;
	v61 =	vld.idx.msk [tilespmem:v2+s15+$0x0], $0xffff;
	v11 =	vadd.f32 v12, v11  }
0x6b: {  	v62 =	vld.idx.msk [tilespmem:v2+s18+$0x0], $0xffff  }
0x6c: {  	v4 =	vadd.f32 v58, v56;
	v7 =	vmul.f32 v10, v7;
	v9 =	vadd.f32 v9, v11  }
0x6d: {  	v2 =	vld.idx.msk [tilespmem:v2+s14+$0x0], $0xffff  }
0x6e: {  	v3 =	vadd.f32 v3, v59;
	v4 =	vmul.f32 v4, v5;
	v7 =	vadd.f32 v7, v9;
	_ =	sdelay $0x1  }
0x6f: {  	s22 =	sadd.s32 $0x1, s22;
	v3 =	vmul.f32 v3, v6;
	v63 =	vadd.f32 v62, v61;
	v4 =	vadd.f32 v4, v7  }
0x70: {  	p0 =	sne.s32 s22, $0x20  }
.Ltmp1:
0x71: {  	v2 =	vmul.f32 v63, v2;
	v3 =	vadd.f32 v3, v4;
	(pc) =	sbr.rel @p0 .LBB2_2-.Ltmp1, $3  }
0x72: {  	_ = 	snop  }
0x73: {  	v2 =	vadd.f32 v2, v3;
	_ =	sdelay $0x1  }
0x74: {  	[tilespmem:s23+$0x18800] =	vst v2  }
0x75: {  	s21 =	sadd.s32 $0x1, s21  }
0x76: {  	p0 =	sne.s32 s21, s11  }
.Ltmp2:
0x77: {  	_ = 	snop;
	(pc) =	sbr.rel @p0 .LBB2_1-.Ltmp2, $4  }
0x78: {  	[hbm4b:s10+s2] =	stream.linear.scatter [tilespmem:s20], [sflag:$0x2], $0x200, $0x38;
	[tilespmem:$0x18A00] =	vst v63  }
0x79: {  	_ =	swait.ge [sflag:s12], $0x200  }
0x7a: {  	[sflag:s12] =	ssyncset.done $0x0  }
0x7b: {  	[sflag:s12] =	ssyncadd.s32 $0xFFFFFE00  }
0x7c: {  	_ =	sfence.sel $0x180000  }
0x7d: {  	[bflag:$0x0] =	sbarrier.arrive $0xFFFF  }
0x7e: {  	p0 =	sne.s32 s1, $0x0;
	_ =	strace $0x90000047  }
0x7f: {  	s0 =	sadd.s32 @!p0 $0x100000, s0;
	[bflag:$0x2] =	sbarrier.arrive $0xFFFF  }
0x80: {  	[sflag:s0] =	ssyncadd.tile.s32 @!p0 $0x1;
	_ =	shalt  }
.Lfunc_end2:
_tile_overlayer_lowered:
.L_overlay_start_2:
0x81: {  	(tag) =	ssettag $0x2  }
0x82: {  	s0 =	rddreg [dreg:$0x0];
	s2 =	stileid.u32  }
0x83: {  	s1 =	rddreg [dreg:$0x1];
	p0 =	sne.s32 s2, $0x0  }
0x84: {  	s3 =	rddreg [dreg:$0x2];
	[bflag:$0x3] =	sbarrier.arrive $0xFFFF;
	s2 =	simm.s32 @!p0 $0x1C02  }
0x85: {  	[timem:s3], [sflag:s2] =	dma.local @!p0 [hbm:s0], s1  }
0x86: {  	s0 =	simm.s32 @!p0 $0x2  }
0x87: {  	_ =	swait.ge @!p0 [sflag:s0], s1  }
0x88: {  	s1 =	ssub.s32 @!p0 $0x0, s1;
	[sflag:s0] =	ssyncset.done @!p0 $0x0  }
0x89: {  	[sflag:s0] =	ssyncadd.s32 @!p0 s1  }
0x8a: {  	[bflag:$0x3] =	sbarrier.arrive $0xFFFF  }
0x8b: {  	_ =	shalt  }

</sc_bundles>
